<compile_context>
chip_gen: v7x
topology: tpu7x:2x2x1
jax: 0.10.2.dev20260603
libtpu: 0.0.44.dev20260713+nightly
codegen_flags: <defaults>
</compile_context>

<pallas_src>
import functools

import jax
import jax.numpy as jnp
from jax import lax
from jax.experimental import pallas as pl
from jax.experimental.pallas import tpu as pltpu
from jax.experimental.pallas import tpu_sc as plsc

DIM = 128
QUEUE_SIZE = 65536
BATCH_COLS = 4096

_ROWS_W = 8
_HCOLS = BATCH_COLS // 2


def _sc_body(lk_ref, out_ref, buf):
    cid = lax.axis_index("c")
    sid = lax.axis_index("s")
    wid = sid * 2 + cid
    r = wid // 2
    h = wid % 2
    row0 = r * _ROWS_W
    col0 = h * _HCOLS
    pltpu.sync_copy(lk_ref.at[pl.ds(row0, _ROWS_W), pl.ds(col0, _HCOLS)], buf)
    pltpu.sync_copy(buf, out_ref.at[pl.ds(row0, _ROWS_W), pl.ds(col0, _HCOLS)])


def _sc_head_full(last_k):
    mesh = plsc.VectorSubcoreMesh(core_axis_name="c", subcore_axis_name="s")
    run = functools.partial(
        pl.kernel,
        out_type=jax.ShapeDtypeStruct((DIM, QUEUE_SIZE), jnp.float32),
        mesh=mesh,
        scratch_types=[pltpu.VMEM((_ROWS_W, _HCOLS), jnp.float32)],
    )(_sc_body)
    return run(last_k)


_TW = 7680
_TCHUNK = (QUEUE_SIZE - BATCH_COLS) // _TW
_TNBUF = 4


def _tc_body(q_ref, tmp_ref, out_ref, buf, rsem, wsem):
    def rd(c):
        b = c % _TNBUF
        return pltpu.make_async_copy(
            q_ref.at[:, pl.ds(BATCH_COLS + c * _TW, _TW)], buf.at[b], rsem.at[b]
        )

    def wr(c):
        b = c % _TNBUF
        return pltpu.make_async_copy(
            buf.at[b], out_ref.at[:, pl.ds(BATCH_COLS + c * _TW, _TW)], wsem.at[b]
        )

    for c in range(_TNBUF):
        rd(c).start()
    for c in range(_TCHUNK):
        rd(c).wait()
        wr(c).start()
        if c + _TNBUF < _TCHUNK:
            wr(c).wait()
            rd(c + _TNBUF).start()
    for c in range(max(_TCHUNK - _TNBUF, 0), _TCHUNK):
        wr(c).wait()


def _tc_tail_inplace(moco_queue, tmp):
    return pl.pallas_call(
        _tc_body,
        in_specs=[
            pl.BlockSpec(memory_space=pl.ANY),
            pl.BlockSpec(memory_space=pl.ANY),
        ],
        out_specs=pl.BlockSpec(memory_space=pl.ANY),
        out_shape=jax.ShapeDtypeStruct((DIM, QUEUE_SIZE), jnp.float32),
        input_output_aliases={1: 0},
        scratch_shapes=[
            pltpu.VMEM((_TNBUF, DIM, _TW), jnp.float32),
            pltpu.SemaphoreType.DMA((_TNBUF,)),
            pltpu.SemaphoreType.DMA((_TNBUF,)),
        ],
    )(moco_queue, tmp)


def kernel(last_k, moco_queue):
    tmp = _sc_head_full(last_k)
    return _tc_tail_inplace(moco_queue, tmp)

# --- scband reference (transcript-rebuilt; emitter-appended) ---
"""Pipeline reference for scband-moco-queue-88218628259962 (READ-ONLY COPY).

The authoritative reference and input builder live on the scoring server;
editing this copy changes nothing except your own understanding.
"""

import jax, jax.numpy as jnp
import numpy as np

DIM = 128
QUEUE_SIZE = 65536
BATCH_COLS = 4096

def setup_inputs(seed: int = 0) -> dict:
    key = jax.random.key(seed)
    k1, k2 = jax.random.split(key)
    last_k = jax.random.normal(k1, (DIM, BATCH_COLS), dtype=jnp.float32)
    # buffer registered in __init__: torch.randn((dim, queue_size))
    moco_queue = jax.random.normal(k2, (DIM, QUEUE_SIZE), dtype=jnp.float32)
    return {"last_k": last_k, "moco_queue": moco_queue}

def reference(last_k, moco_queue):
    # _MocoQueue.append with _moco_ptr = 0 (initial state):
    #   self.moco_queue[:, ptr:ptr + last_k.shape[1]] = last_k
    # queue_size % last_k.shape[1] == 0 holds (65536 % 4096 == 0).
    # Functional JAX equivalent: scatter-overwrite into the column window,
    # returning the updated queue (the new buffer state).
    ptr = 0
    n = last_k.shape[1]
    updated_queue = moco_queue.at[:, ptr:ptr + n].set(last_k)
    return updated_queue

if __name__ == "__main__":
    import jax
    _d = setup_inputs()
    print(jax.jit(kernel)(*tuple(_d.values())))

</pallas_src>

<mosaic_0001>
#map = affine_map<(d0, d1) -> (0, 0)>
module attributes {stable_mosaic.version = 14 : i64} {
  func.func @_sc_body(%arg0: i32, %arg1: i32, %arg2: memref<128x4096xf32, #tpu.memory_space<hbm>>, %arg3: memref<128x65536xf32, #tpu.memory_space<hbm>>, %arg4: memref<8x2048xf32, #tpu.memory_space<vmem>>) attributes {dimension_semantics = [#tpu.dimension_semantics<core_parallel>, #tpu.dimension_semantics<subcore_parallel>], iteration_bounds = array<i64: 2, 16>, scalar_prefetch = 0 : i64, scratch_operands = 1 : i64, tpu.core_type = #tpu.core_type<sc_vector_subcore>, window_params = [{transform_indices = #map}, {transform_indices = #map}]} {
    %mul3A = arith.constant 2 : i32
    %mul3A_0 = arith.muli %arg1, %mul3A : i32
    %add3A = arith.addi %mul3A_0, %arg0 : i32
    %jit3A = arith.constant 2 : i32
    %div3A = arith.divsi %add3A, %jit3A : i32
    %sign3A = arith.constant 0 : i32
    %sign3A_1 = arith.cmpi sgt, %add3A, %sign3A : i32
    %sign3A_2 = arith.extui %sign3A_1 : i1 to i32
    %sign3A_3 = arith.constant 0 : i32
    %sign3A_4 = arith.cmpi slt, %add3A, %sign3A_3 : i32
    %sign3A_5 = arith.extui %sign3A_4 : i1 to i32
    %sign3A_6 = arith.subi %sign3A_2, %sign3A_5 : i32
    %sign3A_7 = arith.constant 0 : i32
    %sign3A_8 = arith.cmpi sgt, %jit3A, %sign3A_7 : i32
    %sign3A_9 = arith.extui %sign3A_8 : i1 to i32
    %sign3A_10 = arith.constant 0 : i32
    %sign3A_11 = arith.cmpi slt, %jit3A, %sign3A_10 : i32
    %sign3A_12 = arith.extui %sign3A_11 : i1 to i32
    %sign3A_13 = arith.subi %sign3A_9, %sign3A_12 : i32
    %ne3A = arith.cmpi ne, %sign3A_6, %sign3A_13 : i32
    %rem3A = arith.remsi %add3A, %jit3A : i32
    %ne3A_14 = arith.constant 0 : i32
    %ne3A_15 = arith.cmpi ne, %rem3A, %ne3A_14 : i32
    %and3A = arith.andi %ne3A, %ne3A_15 : i1
    %sub3A = arith.constant 1 : i32
    %sub3A_16 = arith.subi %div3A, %sub3A : i32
    %select_n3A = arith.select %and3A, %sub3A_16, %div3A : i32
    %jit3A_17 = arith.constant 2 : i32
    %eq3A = arith.constant 0 : i32
    %eq3A_18 = arith.cmpi eq, %jit3A_17, %eq3A : i32
    %jit3A_19 = arith.constant 1 : i32
    %select_n3A_20 = arith.select %eq3A_18, %jit3A_19, %jit3A_17 : i32
    %rem3A_21 = arith.remsi %add3A, %select_n3A_20 : i32
    %ne3A_22 = arith.constant 0 : i32
    %ne3A_23 = arith.cmpi ne, %rem3A_21, %ne3A_22 : i32
    %lt3A = arith.constant 0 : i32
    %lt3A_24 = arith.cmpi slt, %rem3A_21, %lt3A : i32
    %lt3A_25 = arith.constant 0 : i32
    %lt3A_26 = arith.cmpi slt, %select_n3A_20, %lt3A_25 : i32
    %ne3A_27 = arith.xori %lt3A_24, %lt3A_26 : i1
    %and3A_28 = arith.andi %ne3A_27, %ne3A_23 : i1
    %add3A_29 = arith.addi %rem3A_21, %select_n3A_20 : i32
    %select_n3A_30 = arith.select %and3A_28, %add3A_29, %rem3A_21 : i32
    %mul3A_31 = arith.constant 8 : i32
    %mul3A_32 = arith.muli %select_n3A, %mul3A_31 : i32
    %mul3A_33 = arith.constant 2048 : i32
    %mul3A_34 = arith.muli %select_n3A_30, %mul3A_33 : i32
    "tpu.region"() ({
      %run_scoped3A = tpu.sem_alloc : memref<!tpu.dma_semaphore, #tpu.memory_space<semaphore_mem>>
      %dma_start3A = tpu.memref_slice %arg2[%mul3A_32, %mul3A_34] : memref<128x4096xf32, #tpu.memory_space<hbm>> -> memref<8x2048xf32, #tpu.memory_space<hbm>>
      %dma_start3A_35 = tpu.memref_slice %arg2[%mul3A_32, %mul3A_34] : memref<128x4096xf32, #tpu.memory_space<hbm>> -> memref<8x2048xf32, #tpu.memory_space<hbm>>
      tpu.enqueue_dma source(%dma_start3A_35 : memref<8x2048xf32, #tpu.memory_space<hbm>>) target(%arg4 : memref<8x2048xf32, #tpu.memory_space<vmem>>) target_semaphore(%run_scoped3A : memref<!tpu.dma_semaphore, #tpu.memory_space<semaphore_mem>>)
      %dma_wait3A = tpu.memref_slice %arg2[%mul3A_32, %mul3A_34] : memref<128x4096xf32, #tpu.memory_space<hbm>> -> memref<8x2048xf32, #tpu.memory_space<hbm>>
      %dma_wait3A_36 = tpu.memref_slice %arg2[%mul3A_32, %mul3A_34] : memref<128x4096xf32, #tpu.memory_space<hbm>> -> memref<8x2048xf32, #tpu.memory_space<hbm>>
      tpu.wait_dma2 semaphore(%run_scoped3A : memref<!tpu.dma_semaphore, #tpu.memory_space<semaphore_mem>>) src(%dma_wait3A_36 : memref<8x2048xf32, #tpu.memory_space<hbm>>) dst(%arg4 : memref<8x2048xf32, #tpu.memory_space<vmem>>)
      tpu.yield
    }) : () -> ()
    "tpu.region"() ({
      %run_scoped3A = tpu.sem_alloc : memref<!tpu.dma_semaphore, #tpu.memory_space<semaphore_mem>>
      %dma_start3A = tpu.memref_slice %arg3[%mul3A_32, %mul3A_34] : memref<128x65536xf32, #tpu.memory_space<hbm>> -> memref<8x2048xf32, #tpu.memory_space<hbm>>
      %dma_start3A_35 = tpu.memref_slice %arg3[%mul3A_32, %mul3A_34] : memref<128x65536xf32, #tpu.memory_space<hbm>> -> memref<8x2048xf32, #tpu.memory_space<hbm>>
      tpu.enqueue_dma source(%arg4 : memref<8x2048xf32, #tpu.memory_space<vmem>>) target(%dma_start3A_35 : memref<8x2048xf32, #tpu.memory_space<hbm>>) target_semaphore(%run_scoped3A : memref<!tpu.dma_semaphore, #tpu.memory_space<semaphore_mem>>)
      %dma_wait3A = tpu.memref_slice %arg3[%mul3A_32, %mul3A_34] : memref<128x65536xf32, #tpu.memory_space<hbm>> -> memref<8x2048xf32, #tpu.memory_space<hbm>>
      %dma_wait3A_36 = tpu.memref_slice %arg3[%mul3A_32, %mul3A_34] : memref<128x65536xf32, #tpu.memory_space<hbm>> -> memref<8x2048xf32, #tpu.memory_space<hbm>>
      tpu.wait_dma2 semaphore(%run_scoped3A : memref<!tpu.dma_semaphore, #tpu.memory_space<semaphore_mem>>) src(%arg4 : memref<8x2048xf32, #tpu.memory_space<vmem>>) dst(%dma_wait3A_36 : memref<8x2048xf32, #tpu.memory_space<hbm>>)
      tpu.yield
    }) : () -> ()
    return
  }
}

module attributes {stable_mosaic.version = 14 : i64} {
  func.func @_tc_body(%arg0: memref<128x65536xf32, #tpu.memory_space<any>>, %arg1: memref<128x65536xf32, #tpu.memory_space<any>>, %arg2: memref<128x65536xf32, #tpu.memory_space<any>>, %arg3: memref<4x128x7680xf32, #tpu.memory_space<vmem>>, %arg4: memref<4x!tpu.dma_semaphore, #tpu.memory_space<semaphore_mem>>, %arg5: memref<4x!tpu.dma_semaphore, #tpu.memory_space<semaphore_mem>>) attributes {dimension_semantics = [], scalar_prefetch = 0 : i64, scratch_operands = 3 : i64, tpu.core_type = #tpu.core_type<tc>} {
    %dma_start3A = arith.constant 0 : i32
    %dma_start3A_0 = arith.constant 0 : i32
    %dma_start3A_1 = tpu.memref_slice %arg4[%dma_start3A_0] : memref<4x!tpu.dma_semaphore, #tpu.memory_space<semaphore_mem>> -> memref<1x!tpu.dma_semaphore, #tpu.memory_space<semaphore_mem>>
    %dma_start3A_2 = tpu.memref_squeeze %dma_start3A_1 : memref<1x!tpu.dma_semaphore, #tpu.memory_space<semaphore_mem>> -> memref<!tpu.dma_semaphore, #tpu.memory_space<semaphore_mem>>
    %dma_start3A_3 = arith.constant 0 : i32
    %dma_start3A_4 = arith.constant 0 : i32
    %dma_start3A_5 = tpu.memref_slice %arg3[%dma_start3A, %dma_start3A_3, %dma_start3A_4] : memref<4x128x7680xf32, #tpu.memory_space<vmem>> -> memref<1x128x7680xf32, #tpu.memory_space<vmem>>
    %dma_start3A_6 = tpu.memref_squeeze %dma_start3A_5 : memref<1x128x7680xf32, #tpu.memory_space<vmem>> -> memref<128x7680xf32, #tpu.memory_space<vmem>>
    %dma_start3A_7 = arith.constant 0 : i32
    %dma_start3A_8 = arith.constant 4096 : i32
    %dma_start3A_9 = tpu.memref_slice %arg0[%dma_start3A_7, %dma_start3A_8] : memref<128x65536xf32, #tpu.memory_space<any>> -> memref<128x7680xf32, #tpu.memory_space<any>>
    tpu.enqueue_dma source(%dma_start3A_9 : memref<128x7680xf32, #tpu.memory_space<any>>) target(%dma_start3A_6 : memref<128x7680xf32, #tpu.memory_space<vmem>>) target_semaphore(%dma_start3A_2 : memref<!tpu.dma_semaphore, #tpu.memory_space<semaphore_mem>>)
    %dma_start3A_10 = arith.constant 1 : i32
    %dma_start3A_11 = arith.constant 1 : i32
    %dma_start3A_12 = tpu.memref_slice %arg4[%dma_start3A_11] : memref<4x!tpu.dma_semaphore, #tpu.memory_space<semaphore_mem>> -> memref<1x!tpu.dma_semaphore, #tpu.memory_space<semaphore_mem>>
    %dma_start3A_13 = tpu.memref_squeeze %dma_start3A_12 : memref<1x!tpu.dma_semaphore, #tpu.memory_space<semaphore_mem>> -> memref<!tpu.dma_semaphore, #tpu.memory_space<semaphore_mem>>
    %dma_start3A_14 = arith.constant 0 : i32
    %dma_start3A_15 = arith.constant 0 : i32
    %dma_start3A_16 = tpu.memref_slice %arg3[%dma_start3A_10, %dma_start3A_14, %dma_start3A_15] : memref<4x128x7680xf32, #tpu.memory_space<vmem>> -> memref<1x128x7680xf32, #tpu.memory_space<vmem>>
    %dma_start3A_17 = tpu.memref_squeeze %dma_start3A_16 : memref<1x128x7680xf32, #tpu.memory_space<vmem>> -> memref<128x7680xf32, #tpu.memory_space<vmem>>
    %dma_start3A_18 = arith.constant 0 : i32
    %dma_start3A_19 = arith.constant 11776 : i32
    %dma_start3A_20 = tpu.memref_slice %arg0[%dma_start3A_18, %dma_start3A_19] : memref<128x65536xf32, #tpu.memory_space<any>> -> memref<128x7680xf32, #tpu.memory_space<any>>
    tpu.enqueue_dma source(%dma_start3A_20 : memref<128x7680xf32, #tpu.memory_space<any>>) target(%dma_start3A_17 : memref<128x7680xf32, #tpu.memory_space<vmem>>) target_semaphore(%dma_start3A_13 : memref<!tpu.dma_semaphore, #tpu.memory_space<semaphore_mem>>)
    %dma_start3A_21 = arith.constant 2 : i32
    %dma_start3A_22 = arith.constant 2 : i32
    %dma_start3A_23 = tpu.memref_slice %arg4[%dma_start3A_22] : memref<4x!tpu.dma_semaphore, #tpu.memory_space<semaphore_mem>> -> memref<1x!tpu.dma_semaphore, #tpu.memory_space<semaphore_mem>>
    %dma_start3A_24 = tpu.memref_squeeze %dma_start3A_23 : memref<1x!tpu.dma_semaphore, #tpu.memory_space<semaphore_mem>> -> memref<!tpu.dma_semaphore, #tpu.memory_space<semaphore_mem>>
    %dma_start3A_25 = arith.constant 0 : i32
    %dma_start3A_26 = arith.constant 0 : i32
    %dma_start3A_27 = tpu.memref_slice %arg3[%dma_start3A_21, %dma_start3A_25, %dma_start3A_26] : memref<4x128x7680xf32, #tpu.memory_space<vmem>> -> memref<1x128x7680xf32, #tpu.memory_space<vmem>>
    %dma_start3A_28 = tpu.memref_squeeze %dma_start3A_27 : memref<1x128x7680xf32, #tpu.memory_space<vmem>> -> memref<128x7680xf32, #tpu.memory_space<vmem>>
    %dma_start3A_29 = arith.constant 0 : i32
    %dma_start3A_30 = arith.constant 19456 : i32
    %dma_start3A_31 = tpu.memref_slice %arg0[%dma_start3A_29, %dma_start3A_30] : memref<128x65536xf32, #tpu.memory_space<any>> -> memref<128x7680xf32, #tpu.memory_space<any>>
    tpu.enqueue_dma source(%dma_start3A_31 : memref<128x7680xf32, #tpu.memory_space<any>>) target(%dma_start3A_28 : memref<128x7680xf32, #tpu.memory_space<vmem>>) target_semaphore(%dma_start3A_24 : memref<!tpu.dma_semaphore, #tpu.memory_space<semaphore_mem>>)
    %dma_start3A_32 = arith.constant 3 : i32
    %dma_start3A_33 = arith.constant 3 : i32
    %dma_start3A_34 = tpu.memref_slice %arg4[%dma_start3A_33] : memref<4x!tpu.dma_semaphore, #tpu.memory_space<semaphore_mem>> -> memref<1x!tpu.dma_semaphore, #tpu.memory_space<semaphore_mem>>
    %dma_start3A_35 = tpu.memref_squeeze %dma_start3A_34 : memref<1x!tpu.dma_semaphore, #tpu.memory_space<semaphore_mem>> -> memref<!tpu.dma_semaphore, #tpu.memory_space<semaphore_mem>>
    %dma_start3A_36 = arith.constant 0 : i32
    %dma_start3A_37 = arith.constant 0 : i32
    %dma_start3A_38 = tpu.memref_slice %arg3[%dma_start3A_32, %dma_start3A_36, %dma_start3A_37] : memref<4x128x7680xf32, #tpu.memory_space<vmem>> -> memref<1x128x7680xf32, #tpu.memory_space<vmem>>
    %dma_start3A_39 = tpu.memref_squeeze %dma_start3A_38 : memref<1x128x7680xf32, #tpu.memory_space<vmem>> -> memref<128x7680xf32, #tpu.memory_space<vmem>>
    %dma_start3A_40 = arith.constant 0 : i32
    %dma_start3A_41 = arith.constant 27136 : i32
    %dma_start3A_42 = tpu.memref_slice %arg0[%dma_start3A_40, %dma_start3A_41] : memref<128x65536xf32, #tpu.memory_space<any>> -> memref<128x7680xf32, #tpu.memory_space<any>>
    tpu.enqueue_dma source(%dma_start3A_42 : memref<128x7680xf32, #tpu.memory_space<any>>) target(%dma_start3A_39 : memref<128x7680xf32, #tpu.memory_space<vmem>>) target_semaphore(%dma_start3A_35 : memref<!tpu.dma_semaphore, #tpu.memory_space<semaphore_mem>>)
    %dma_wait3A = arith.constant 0 : i32
    %dma_wait3A_43 = arith.constant 0 : i32
    %dma_wait3A_44 = tpu.memref_slice %arg4[%dma_wait3A_43] : memref<4x!tpu.dma_semaphore, #tpu.memory_space<semaphore_mem>> -> memref<1x!tpu.dma_semaphore, #tpu.memory_space<semaphore_mem>>
    %dma_wait3A_45 = tpu.memref_squeeze %dma_wait3A_44 : memref<1x!tpu.dma_semaphore, #tpu.memory_space<semaphore_mem>> -> memref<!tpu.dma_semaphore, #tpu.memory_space<semaphore_mem>>
    %dma_wait3A_46 = arith.constant 0 : i32
    %dma_wait3A_47 = arith.constant 0 : i32
    %dma_wait3A_48 = tpu.memref_slice %arg3[%dma_wait3A, %dma_wait3A_46, %dma_wait3A_47] : memref<4x128x7680xf32, #tpu.memory_space<vmem>> -> memref<1x128x7680xf32, #tpu.memory_space<vmem>>
    %dma_wait3A_49 = tpu.memref_squeeze %dma_wait3A_48 : memref<1x128x7680xf32, #tpu.memory_space<vmem>> -> memref<128x7680xf32, #tpu.memory_space<vmem>>
    %dma_wait3A_50 = arith.constant 0 : i32
    %dma_wait3A_51 = arith.constant 4096 : i32
    %dma_wait3A_52 = tpu.memref_slice %arg0[%dma_wait3A_50, %dma_wait3A_51] : memref<128x65536xf32, #tpu.memory_space<any>> -> memref<128x7680xf32, #tpu.memory_space<any>>
    tpu.wait_dma2 semaphore(%dma_wait3A_45 : memref<!tpu.dma_semaphore, #tpu.memory_space<semaphore_mem>>) src(%dma_wait3A_52 : memref<128x7680xf32, #tpu.memory_space<any>>) dst(%dma_wait3A_49 : memref<128x7680xf32, #tpu.memory_space<vmem>>)
    %dma_start3A_53 = arith.constant 0 : i32
    %dma_start3A_54 = arith.constant 0 : i32
    %dma_start3A_55 = tpu.memref_slice %arg5[%dma_start3A_54] : memref<4x!tpu.dma_semaphore, #tpu.memory_space<semaphore_mem>> -> memref<1x!tpu.dma_semaphore, #tpu.memory_space<semaphore_mem>>
    %dma_start3A_56 = tpu.memref_squeeze %dma_start3A_55 : memref<1x!tpu.dma_semaphore, #tpu.memory_space<semaphore_mem>> -> memref<!tpu.dma_semaphore, #tpu.memory_space<semaphore_mem>>
    %dma_start3A_57 = arith.constant 0 : i32
    %dma_start3A_58 = arith.constant 4096 : i32
    %dma_start3A_59 = tpu.memref_slice %arg2[%dma_start3A_57, %dma_start3A_58] : memref<128x65536xf32, #tpu.memory_space<any>> -> memref<128x7680xf32, #tpu.memory_space<any>>
    %dma_start3A_60 = arith.constant 0 : i32
    %dma_start3A_61 = arith.constant 0 : i32
    %dma_start3A_62 = tpu.memref_slice %arg3[%dma_start3A_53, %dma_start3A_60, %dma_start3A_61] : memref<4x128x7680xf32, #tpu.memory_space<vmem>> -> memref<1x128x7680xf32, #tpu.memory_space<vmem>>
    %dma_start3A_63 = tpu.memref_squeeze %dma_start3A_62 : memref<1x128x7680xf32, #tpu.memory_space<vmem>> -> memref<128x7680xf32, #tpu.memory_space<vmem>>
    tpu.enqueue_dma source(%dma_start3A_63 : memref<128x7680xf32, #tpu.memory_space<vmem>>) target(%dma_start3A_59 : memref<128x7680xf32, #tpu.memory_space<any>>) target_semaphore(%dma_start3A_56 : memref<!tpu.dma_semaphore, #tpu.memory_space<semaphore_mem>>)
    %dma_wait3A_64 = arith.constant 0 : i32
    %dma_wait3A_65 = arith.constant 0 : i32
    %dma_wait3A_66 = tpu.memref_slice %arg5[%dma_wait3A_65] : memref<4x!tpu.dma_semaphore, #tpu.memory_space<semaphore_mem>> -> memref<1x!tpu.dma_semaphore, #tpu.memory_space<semaphore_mem>>
    %dma_wait3A_67 = tpu.memref_squeeze %dma_wait3A_66 : memref<1x!tpu.dma_semaphore, #tpu.memory_space<semaphore_mem>> -> memref<!tpu.dma_semaphore, #tpu.memory_space<semaphore_mem>>
    %dma_wait3A_68 = arith.constant 0 : i32
    %dma_wait3A_69 = arith.constant 4096 : i32
    %dma_wait3A_70 = tpu.memref_slice %arg2[%dma_wait3A_68, %dma_wait3A_69] : memref<128x65536xf32, #tpu.memory_space<any>> -> memref<128x7680xf32, #tpu.memory_space<any>>
    %dma_wait3A_71 = arith.constant 0 : i32
    %dma_wait3A_72 = arith.constant 0 : i32
    %dma_wait3A_73 = tpu.memref_slice %arg3[%dma_wait3A_64, %dma_wait3A_71, %dma_wait3A_72] : memref<4x128x7680xf32, #tpu.memory_space<vmem>> -> memref<1x128x7680xf32, #tpu.memory_space<vmem>>
    %dma_wait3A_74 = tpu.memref_squeeze %dma_wait3A_73 : memref<1x128x7680xf32, #tpu.memory_space<vmem>> -> memref<128x7680xf32, #tpu.memory_space<vmem>>
    tpu.wait_dma2 semaphore(%dma_wait3A_67 : memref<!tpu.dma_semaphore, #tpu.memory_space<semaphore_mem>>) src(%dma_wait3A_74 : memref<128x7680xf32, #tpu.memory_space<vmem>>) dst(%dma_wait3A_70 : memref<128x7680xf32, #tpu.memory_space<any>>)
    %dma_start3A_75 = arith.constant 0 : i32
    %dma_start3A_76 = arith.constant 0 : i32
    %dma_start3A_77 = tpu.memref_slice %arg4[%dma_start3A_76] : memref<4x!tpu.dma_semaphore, #tpu.memory_space<semaphore_mem>> -> memref<1x!tpu.dma_semaphore, #tpu.memory_space<semaphore_mem>>
    %dma_start3A_78 = tpu.memref_squeeze %dma_start3A_77 : memref<1x!tpu.dma_semaphore, #tpu.memory_space<semaphore_mem>> -> memref<!tpu.dma_semaphore, #tpu.memory_space<semaphore_mem>>
    %dma_start3A_79 = arith.constant 0 : i32
    %dma_start3A_80 = arith.constant 0 : i32
    %dma_start3A_81 = tpu.memref_slice %arg3[%dma_start3A_75, %dma_start3A_79, %dma_start3A_80] : memref<4x128x7680xf32, #tpu.memory_space<vmem>> -> memref<1x128x7680xf32, #tpu.memory_space<vmem>>
    %dma_start3A_82 = tpu.memref_squeeze %dma_start3A_81 : memref<1x128x7680xf32, #tpu.memory_space<vmem>> -> memref<128x7680xf32, #tpu.memory_space<vmem>>
    %dma_start3A_83 = arith.constant 0 : i32
    %dma_start3A_84 = arith.constant 34816 : i32
    %dma_start3A_85 = tpu.memref_slice %arg0[%dma_start3A_83, %dma_start3A_84] : memref<128x65536xf32, #tpu.memory_space<any>> -> memref<128x7680xf32, #tpu.memory_space<any>>
    tpu.enqueue_dma source(%dma_start3A_85 : memref<128x7680xf32, #tpu.memory_space<any>>) target(%dma_start3A_82 : memref<128x7680xf32, #tpu.memory_space<vmem>>) target_semaphore(%dma_start3A_78 : memref<!tpu.dma_semaphore, #tpu.memory_space<semaphore_mem>>)
    %dma_wait3A_86 = arith.constant 1 : i32
    %dma_wait3A_87 = arith.constant 1 : i32
    %dma_wait3A_88 = tpu.memref_slice %arg4[%dma_wait3A_87] : memref<4x!tpu.dma_semaphore, #tpu.memory_space<semaphore_mem>> -> memref<1x!tpu.dma_semaphore, #tpu.memory_space<semaphore_mem>>
    %dma_wait3A_89 = tpu.memref_squeeze %dma_wait3A_88 : memref<1x!tpu.dma_semaphore, #tpu.memory_space<semaphore_mem>> -> memref<!tpu.dma_semaphore, #tpu.memory_space<semaphore_mem>>
    %dma_wait3A_90 = arith.constant 0 : i32
    %dma_wait3A_91 = arith.constant 0 : i32
    %dma_wait3A_92 = tpu.memref_slice %arg3[%dma_wait3A_86, %dma_wait3A_90, %dma_wait3A_91] : memref<4x128x7680xf32, #tpu.memory_space<vmem>> -> memref<1x128x7680xf32, #tpu.memory_space<vmem>>
    %dma_wait3A_93 = tpu.memref_squeeze %dma_wait3A_92 : memref<1x128x7680xf32, #tpu.memory_space<vmem>> -> memref<128x7680xf32, #tpu.memory_space<vmem>>
    %dma_wait3A_94 = arith.constant 0 : i32
    %dma_wait3A_95 = arith.constant 11776 : i32
    %dma_wait3A_96 = tpu.memref_slice %arg0[%dma_wait3A_94, %dma_wait3A_95] : memref<128x65536xf32, #tpu.memory_space<any>> -> memref<128x7680xf32, #tpu.memory_space<any>>
    tpu.wait_dma2 semaphore(%dma_wait3A_89 : memref<!tpu.dma_semaphore, #tpu.memory_space<semaphore_mem>>) src(%dma_wait3A_96 : memref<128x7680xf32, #tpu.memory_space<any>>) dst(%dma_wait3A_93 : memref<128x7680xf32, #tpu.memory_space<vmem>>)
    %dma_start3A_97 = arith.constant 1 : i32
    %dma_start3A_98 = arith.constant 1 : i32
    %dma_start3A_99 = tpu.memref_slice %arg5[%dma_start3A_98] : memref<4x!tpu.dma_semaphore, #tpu.memory_space<semaphore_mem>> -> memref<1x!tpu.dma_semaphore, #tpu.memory_space<semaphore_mem>>
    %dma_start3A_100 = tpu.memref_squeeze %dma_start3A_99 : memref<1x!tpu.dma_semaphore, #tpu.memory_space<semaphore_mem>> -> memref<!tpu.dma_semaphore, #tpu.memory_space<semaphore_mem>>
    %dma_start3A_101 = arith.constant 0 : i32
    %dma_start3A_102 = arith.constant 11776 : i32
    %dma_start3A_103 = tpu.memref_slice %arg2[%dma_start3A_101, %dma_start3A_102] : memref<128x65536xf32, #tpu.memory_space<any>> -> memref<128x7680xf32, #tpu.memory_space<any>>
    %dma_start3A_104 = arith.constant 0 : i32
    %dma_start3A_105 = arith.constant 0 : i32
    %dma_start3A_106 = tpu.memref_slice %arg3[%dma_start3A_97, %dma_start3A_104, %dma_start3A_105] : memref<4x128x7680xf32, #tpu.memory_space<vmem>> -> memref<1x128x7680xf32, #tpu.memory_space<vmem>>
    %dma_start3A_107 = tpu.memref_squeeze %dma_start3A_106 : memref<1x128x7680xf32, #tpu.memory_space<vmem>> -> memref<128x7680xf32, #tpu.memory_space<vmem>>
    tpu.enqueue_dma source(%dma_start3A_107 : memref<128x7680xf32, #tpu.memory_space<vmem>>) target(%dma_start3A_103 : memref<128x7680xf32, #tpu.memory_space<any>>) target_semaphore(%dma_start3A_100 : memref<!tpu.dma_semaphore, #tpu.memory_space<semaphore_mem>>)
    %dma_wait3A_108 = arith.constant 1 : i32
    %dma_wait3A_109 = arith.constant 1 : i32
    %dma_wait3A_110 = tpu.memref_slice %arg5[%dma_wait3A_109] : memref<4x!tpu.dma_semaphore, #tpu.memory_space<semaphore_mem>> -> memref<1x!tpu.dma_semaphore, #tpu.memory_space<semaphore_mem>>
    %dma_wait3A_111 = tpu.memref_squeeze %dma_wait3A_110 : memref<1x!tpu.dma_semaphore, #tpu.memory_space<semaphore_mem>> -> memref<!tpu.dma_semaphore, #tpu.memory_space<semaphore_mem>>
    %dma_wait3A_112 = arith.constant 0 : i32
    %dma_wait3A_113 = arith.constant 11776 : i32
    %dma_wait3A_114 = tpu.memref_slice %arg2[%dma_wait3A_112, %dma_wait3A_113] : memref<128x65536xf32, #tpu.memory_space<any>> -> memref<128x7680xf32, #tpu.memory_space<any>>
    %dma_wait3A_115 = arith.constant 0 : i32
    %dma_wait3A_116 = arith.constant 0 : i32
    %dma_wait3A_117 = tpu.memref_slice %arg3[%dma_wait3A_108, %dma_wait3A_115, %dma_wait3A_116] : memref<4x128x7680xf32, #tpu.memory_space<vmem>> -> memref<1x128x7680xf32, #tpu.memory_space<vmem>>
    %dma_wait3A_118 = tpu.memref_squeeze %dma_wait3A_117 : memref<1x128x7680xf32, #tpu.memory_space<vmem>> -> memref<128x7680xf32, #tpu.memory_space<vmem>>
    tpu.wait_dma2 semaphore(%dma_wait3A_111 : memref<!tpu.dma_semaphore, #tpu.memory_space<semaphore_mem>>) src(%dma_wait3A_118 : memref<128x7680xf32, #tpu.memory_space<vmem>>) dst(%dma_wait3A_114 : memref<128x7680xf32, #tpu.memory_space<any>>)
    %dma_start3A_119 = arith.constant 1 : i32
    %dma_start3A_120 = arith.constant 1 : i32
    %dma_start3A_121 = tpu.memref_slice %arg4[%dma_start3A_120] : memref<4x!tpu.dma_semaphore, #tpu.memory_space<semaphore_mem>> -> memref<1x!tpu.dma_semaphore, #tpu.memory_space<semaphore_mem>>
    %dma_start3A_122 = tpu.memref_squeeze %dma_start3A_121 : memref<1x!tpu.dma_semaphore, #tpu.memory_space<semaphore_mem>> -> memref<!tpu.dma_semaphore, #tpu.memory_space<semaphore_mem>>
    %dma_start3A_123 = arith.constant 0 : i32
    %dma_start3A_124 = arith.constant 0 : i32
    %dma_start3A_125 = tpu.memref_slice %arg3[%dma_start3A_119, %dma_start3A_123, %dma_start3A_124] : memref<4x128x7680xf32, #tpu.memory_space<vmem>> -> memref<1x128x7680xf32, #tpu.memory_space<vmem>>
    %dma_start3A_126 = tpu.memref_squeeze %dma_start3A_125 : memref<1x128x7680xf32, #tpu.memory_space<vmem>> -> memref<128x7680xf32, #tpu.memory_space<vmem>>
    %dma_start3A_127 = arith.constant 0 : i32
    %dma_start3A_128 = arith.constant 42496 : i32
    %dma_start3A_129 = tpu.memref_slice %arg0[%dma_start3A_127, %dma_start3A_128] : memref<128x65536xf32, #tpu.memory_space<any>> -> memref<128x7680xf32, #tpu.memory_space<any>>
    tpu.enqueue_dma source(%dma_start3A_129 : memref<128x7680xf32, #tpu.memory_space<any>>) target(%dma_start3A_126 : memref<128x7680xf32, #tpu.memory_space<vmem>>) target_semaphore(%dma_start3A_122 : memref<!tpu.dma_semaphore, #tpu.memory_space<semaphore_mem>>)
    %dma_wait3A_130 = arith.constant 2 : i32
    %dma_wait3A_131 = arith.constant 2 : i32
    %dma_wait3A_132 = tpu.memref_slice %arg4[%dma_wait3A_131] : memref<4x!tpu.dma_semaphore, #tpu.memory_space<semaphore_mem>> -> memref<1x!tpu.dma_semaphore, #tpu.memory_space<semaphore_mem>>
    %dma_wait3A_133 = tpu.memref_squeeze %dma_wait3A_132 : memref<1x!tpu.dma_semaphore, #tpu.memory_space<semaphore_mem>> -> memref<!tpu.dma_semaphore, #tpu.memory_space<semaphore_mem>>
    %dma_wait3A_134 = arith.constant 0 : i32
    %dma_wait3A_135 = arith.constant 0 : i32
    %dma_wait3A_136 = tpu.memref_slice %arg3[%dma_wait3A_130, %dma_wait3A_134, %dma_wait3A_135] : memref<4x128x7680xf32, #tpu.memory_space<vmem>> -> memref<1x128x7680xf32, #tpu.memory_space<vmem>>
    %dma_wait3A_137 = tpu.memref_squeeze %dma_wait3A_136 : memref<1x128x7680xf32, #tpu.memory_space<vmem>> -> memref<128x7680xf32, #tpu.memory_space<vmem>>
    %dma_wait3A_138 = arith.constant 0 : i32
    %dma_wait3A_139 = arith.constant 19456 : i32
    %dma_wait3A_140 = tpu.memref_slice %arg0[%dma_wait3A_138, %dma_wait3A_139] : memref<128x65536xf32, #tpu.memory_space<any>> -> memref<128x7680xf32, #tpu.memory_space<any>>
    tpu.wait_dma2 semaphore(%dma_wait3A_133 : memref<!tpu.dma_semaphore, #tpu.memory_space<semaphore_mem>>) src(%dma_wait3A_140 : memref<128x7680xf32, #tpu.memory_space<any>>) dst(%dma_wait3A_137 : memref<128x7680xf32, #tpu.memory_space<vmem>>)
    %dma_start3A_141 = arith.constant 2 : i32
    %dma_start3A_142 = arith.constant 2 : i32
    %dma_start3A_143 = tpu.memref_slice %arg5[%dma_start3A_142] : memref<4x!tpu.dma_semaphore, #tpu.memory_space<semaphore_mem>> -> memref<1x!tpu.dma_semaphore, #tpu.memory_space<semaphore_mem>>
    %dma_start3A_144 = tpu.memref_squeeze %dma_start3A_143 : memref<1x!tpu.dma_semaphore, #tpu.memory_space<semaphore_mem>> -> memref<!tpu.dma_semaphore, #tpu.memory_space<semaphore_mem>>
    %dma_start3A_145 = arith.constant 0 : i32
    %dma_start3A_146 = arith.constant 19456 : i32
    %dma_start3A_147 = tpu.memref_slice %arg2[%dma_start3A_145, %dma_start3A_146] : memref<128x65536xf32, #tpu.memory_space<any>> -> memref<128x7680xf32, #tpu.memory_space<any>>
    %dma_start3A_148 = arith.constant 0 : i32
    %dma_start3A_149 = arith.constant 0 : i32
    %dma_start3A_150 = tpu.memref_slice %arg3[%dma_start3A_141, %dma_start3A_148, %dma_start3A_149] : memref<4x128x7680xf32, #tpu.memory_space<vmem>> -> memref<1x128x7680xf32, #tpu.memory_space<vmem>>
    %dma_start3A_151 = tpu.memref_squeeze %dma_start3A_150 : memref<1x128x7680xf32, #tpu.memory_space<vmem>> -> memref<128x7680xf32, #tpu.memory_space<vmem>>
    tpu.enqueue_dma source(%dma_start3A_151 : memref<128x7680xf32, #tpu.memory_space<vmem>>) target(%dma_start3A_147 : memref<128x7680xf32, #tpu.memory_space<any>>) target_semaphore(%dma_start3A_144 : memref<!tpu.dma_semaphore, #tpu.memory_space<semaphore_mem>>)
    %dma_wait3A_152 = arith.constant 2 : i32
    %dma_wait3A_153 = arith.constant 2 : i32
    %dma_wait3A_154 = tpu.memref_slice %arg5[%dma_wait3A_153] : memref<4x!tpu.dma_semaphore, #tpu.memory_space<semaphore_mem>> -> memref<1x!tpu.dma_semaphore, #tpu.memory_space<semaphore_mem>>
    %dma_wait3A_155 = tpu.memref_squeeze %dma_wait3A_154 : memref<1x!tpu.dma_semaphore, #tpu.memory_space<semaphore_mem>> -> memref<!tpu.dma_semaphore, #tpu.memory_space<semaphore_mem>>
    %dma_wait3A_156 = arith.constant 0 : i32
    %dma_wait3A_157 = arith.constant 19456 : i32
    %dma_wait3A_158 = tpu.memref_slice %arg2[%dma_wait3A_156, %dma_wait3A_157] : memref<128x65536xf32, #tpu.memory_space<any>> -> memref<128x7680xf32, #tpu.memory_space<any>>
    %dma_wait3A_159 = arith.constant 0 : i32
    %dma_wait3A_160 = arith.constant 0 : i32
    %dma_wait3A_161 = tpu.memref_slice %arg3[%dma_wait3A_152, %dma_wait3A_159, %dma_wait3A_160] : memref<4x128x7680xf32, #tpu.memory_space<vmem>> -> memref<1x128x7680xf32, #tpu.memory_space<vmem>>
    %dma_wait3A_162 = tpu.memref_squeeze %dma_wait3A_161 : memref<1x128x7680xf32, #tpu.memory_space<vmem>> -> memref<128x7680xf32, #tpu.memory_space<vmem>>
    tpu.wait_dma2 semaphore(%dma_wait3A_155 : memref<!tpu.dma_semaphore, #tpu.memory_space<semaphore_mem>>) src(%dma_wait3A_162 : memref<128x7680xf32, #tpu.memory_space<vmem>>) dst(%dma_wait3A_158 : memref<128x7680xf32, #tpu.memory_space<any>>)
    %dma_start3A_163 = arith.constant 2 : i32
    %dma_start3A_164 = arith.constant 2 : i32
    %dma_start3A_165 = tpu.memref_slice %arg4[%dma_start3A_164] : memref<4x!tpu.dma_semaphore, #tpu.memory_space<semaphore_mem>> -> memref<1x!tpu.dma_semaphore, #tpu.memory_space<semaphore_mem>>
    %dma_start3A_166 = tpu.memref_squeeze %dma_start3A_165 : memref<1x!tpu.dma_semaphore, #tpu.memory_space<semaphore_mem>> -> memref<!tpu.dma_semaphore, #tpu.memory_space<semaphore_mem>>
    %dma_start3A_167 = arith.constant 0 : i32
    %dma_start3A_168 = arith.constant 0 : i32
    %dma_start3A_169 = tpu.memref_slice %arg3[%dma_start3A_163, %dma_start3A_167, %dma_start3A_168] : memref<4x128x7680xf32, #tpu.memory_space<vmem>> -> memref<1x128x7680xf32, #tpu.memory_space<vmem>>
    %dma_start3A_170 = tpu.memref_squeeze %dma_start3A_169 : memref<1x128x7680xf32, #tpu.memory_space<vmem>> -> memref<128x7680xf32, #tpu.memory_space<vmem>>
    %dma_start3A_171 = arith.constant 0 : i32
    %dma_start3A_172 = arith.constant 50176 : i32
    %dma_start3A_173 = tpu.memref_slice %arg0[%dma_start3A_171, %dma_start3A_172] : memref<128x65536xf32, #tpu.memory_space<any>> -> memref<128x7680xf32, #tpu.memory_space<any>>
    tpu.enqueue_dma source(%dma_start3A_173 : memref<128x7680xf32, #tpu.memory_space<any>>) target(%dma_start3A_170 : memref<128x7680xf32, #tpu.memory_space<vmem>>) target_semaphore(%dma_start3A_166 : memref<!tpu.dma_semaphore, #tpu.memory_space<semaphore_mem>>)
    %dma_wait3A_174 = arith.constant 3 : i32
    %dma_wait3A_175 = arith.constant 3 : i32
    %dma_wait3A_176 = tpu.memref_slice %arg4[%dma_wait3A_175] : memref<4x!tpu.dma_semaphore, #tpu.memory_space<semaphore_mem>> -> memref<1x!tpu.dma_semaphore, #tpu.memory_space<semaphore_mem>>
    %dma_wait3A_177 = tpu.memref_squeeze %dma_wait3A_176 : memref<1x!tpu.dma_semaphore, #tpu.memory_space<semaphore_mem>> -> memref<!tpu.dma_semaphore, #tpu.memory_space<semaphore_mem>>
    %dma_wait3A_178 = arith.constant 0 : i32
    %dma_wait3A_179 = arith.constant 0 : i32
    %dma_wait3A_180 = tpu.memref_slice %arg3[%dma_wait3A_174, %dma_wait3A_178, %dma_wait3A_179] : memref<4x128x7680xf32, #tpu.memory_space<vmem>> -> memref<1x128x7680xf32, #tpu.memory_space<vmem>>
    %dma_wait3A_181 = tpu.memref_squeeze %dma_wait3A_180 : memref<1x128x7680xf32, #tpu.memory_space<vmem>> -> memref<128x7680xf32, #tpu.memory_space<vmem>>
    %dma_wait3A_182 = arith.constant 0 : i32
    %dma_wait3A_183 = arith.constant 27136 : i32
    %dma_wait3A_184 = tpu.memref_slice %arg0[%dma_wait3A_182, %dma_wait3A_183] : memref<128x65536xf32, #tpu.memory_space<any>> -> memref<128x7680xf32, #tpu.memory_space<any>>
    tpu.wait_dma2 semaphore(%dma_wait3A_177 : memref<!tpu.dma_semaphore, #tpu.memory_space<semaphore_mem>>) src(%dma_wait3A_184 : memref<128x7680xf32, #tpu.memory_space<any>>) dst(%dma_wait3A_181 : memref<128x7680xf32, #tpu.memory_space<vmem>>)
    %dma_start3A_185 = arith.constant 3 : i32
    %dma_start3A_186 = arith.constant 3 : i32
    %dma_start3A_187 = tpu.memref_slice %arg5[%dma_start3A_186] : memref<4x!tpu.dma_semaphore, #tpu.memory_space<semaphore_mem>> -> memref<1x!tpu.dma_semaphore, #tpu.memory_space<semaphore_mem>>
    %dma_start3A_188 = tpu.memref_squeeze %dma_start3A_187 : memref<1x!tpu.dma_semaphore, #tpu.memory_space<semaphore_mem>> -> memref<!tpu.dma_semaphore, #tpu.memory_space<semaphore_mem>>
    %dma_start3A_189 = arith.constant 0 : i32
    %dma_start3A_190 = arith.constant 27136 : i32
    %dma_start3A_191 = tpu.memref_slice %arg2[%dma_start3A_189, %dma_start3A_190] : memref<128x65536xf32, #tpu.memory_space<any>> -> memref<128x7680xf32, #tpu.memory_space<any>>
    %dma_start3A_192 = arith.constant 0 : i32
    %dma_start3A_193 = arith.constant 0 : i32
    %dma_start3A_194 = tpu.memref_slice %arg3[%dma_start3A_185, %dma_start3A_192, %dma_start3A_193] : memref<4x128x7680xf32, #tpu.memory_space<vmem>> -> memref<1x128x7680xf32, #tpu.memory_space<vmem>>
    %dma_start3A_195 = tpu.memref_squeeze %dma_start3A_194 : memref<1x128x7680xf32, #tpu.memory_space<vmem>> -> memref<128x7680xf32, #tpu.memory_space<vmem>>
    tpu.enqueue_dma source(%dma_start3A_195 : memref<128x7680xf32, #tpu.memory_space<vmem>>) target(%dma_start3A_191 : memref<128x7680xf32, #tpu.memory_space<any>>) target_semaphore(%dma_start3A_188 : memref<!tpu.dma_semaphore, #tpu.memory_space<semaphore_mem>>)
    %dma_wait3A_196 = arith.constant 3 : i32
    %dma_wait3A_197 = arith.constant 3 : i32
    %dma_wait3A_198 = tpu.memref_slice %arg5[%dma_wait3A_197] : memref<4x!tpu.dma_semaphore, #tpu.memory_space<semaphore_mem>> -> memref<1x!tpu.dma_semaphore, #tpu.memory_space<semaphore_mem>>
    %dma_wait3A_199 = tpu.memref_squeeze %dma_wait3A_198 : memref<1x!tpu.dma_semaphore, #tpu.memory_space<semaphore_mem>> -> memref<!tpu.dma_semaphore, #tpu.memory_space<semaphore_mem>>
    %dma_wait3A_200 = arith.constant 0 : i32
    %dma_wait3A_201 = arith.constant 27136 : i32
    %dma_wait3A_202 = tpu.memref_slice %arg2[%dma_wait3A_200, %dma_wait3A_201] : memref<128x65536xf32, #tpu.memory_space<any>> -> memref<128x7680xf32, #tpu.memory_space<any>>
    %dma_wait3A_203 = arith.constant 0 : i32
    %dma_wait3A_204 = arith.constant 0 : i32
    %dma_wait3A_205 = tpu.memref_slice %arg3[%dma_wait3A_196, %dma_wait3A_203, %dma_wait3A_204] : memref<4x128x7680xf32, #tpu.memory_space<vmem>> -> memref<1x128x7680xf32, #tpu.memory_space<vmem>>
    %dma_wait3A_206 = tpu.memref_squeeze %dma_wait3A_205 : memref<1x128x7680xf32, #tpu.memory_space<vmem>> -> memref<128x7680xf32, #tpu.memory_space<vmem>>
    tpu.wait_dma2 semaphore(%dma_wait3A_199 : memref<!tpu.dma_semaphore, #tpu.memory_space<semaphore_mem>>) src(%dma_wait3A_206 : memref<128x7680xf32, #tpu.memory_space<vmem>>) dst(%dma_wait3A_202 : memref<128x7680xf32, #tpu.memory_space<any>>)
    %dma_start3A_207 = arith.constant 3 : i32
    %dma_start3A_208 = arith.constant 3 : i32
    %dma_start3A_209 = tpu.memref_slice %arg4[%dma_start3A_208] : memref<4x!tpu.dma_semaphore, #tpu.memory_space<semaphore_mem>> -> memref<1x!tpu.dma_semaphore, #tpu.memory_space<semaphore_mem>>
    %dma_start3A_210 = tpu.memref_squeeze %dma_start3A_209 : memref<1x!tpu.dma_semaphore, #tpu.memory_space<semaphore_mem>> -> memref<!tpu.dma_semaphore, #tpu.memory_space<semaphore_mem>>
    %dma_start3A_211 = arith.constant 0 : i32
    %dma_start3A_212 = arith.constant 0 : i32
    %dma_start3A_213 = tpu.memref_slice %arg3[%dma_start3A_207, %dma_start3A_211, %dma_start3A_212] : memref<4x128x7680xf32, #tpu.memory_space<vmem>> -> memref<1x128x7680xf32, #tpu.memory_space<vmem>>
    %dma_start3A_214 = tpu.memref_squeeze %dma_start3A_213 : memref<1x128x7680xf32, #tpu.memory_space<vmem>> -> memref<128x7680xf32, #tpu.memory_space<vmem>>
    %dma_start3A_215 = arith.constant 0 : i32
    %dma_start3A_216 = arith.constant 57856 : i32
    %dma_start3A_217 = tpu.memref_slice %arg0[%dma_start3A_215, %dma_start3A_216] : memref<128x65536xf32, #tpu.memory_space<any>> -> memref<128x7680xf32, #tpu.memory_space<any>>
    tpu.enqueue_dma source(%dma_start3A_217 : memref<128x7680xf32, #tpu.memory_space<any>>) target(%dma_start3A_214 : memref<128x7680xf32, #tpu.memory_space<vmem>>) target_semaphore(%dma_start3A_210 : memref<!tpu.dma_semaphore, #tpu.memory_space<semaphore_mem>>)
    %dma_wait3A_218 = arith.constant 0 : i32
    %dma_wait3A_219 = arith.constant 0 : i32
    %dma_wait3A_220 = tpu.memref_slice %arg4[%dma_wait3A_219] : memref<4x!tpu.dma_semaphore, #tpu.memory_space<semaphore_mem>> -> memref<1x!tpu.dma_semaphore, #tpu.memory_space<semaphore_mem>>
    %dma_wait3A_221 = tpu.memref_squeeze %dma_wait3A_220 : memref<1x!tpu.dma_semaphore, #tpu.memory_space<semaphore_mem>> -> memref<!tpu.dma_semaphore, #tpu.memory_space<semaphore_mem>>
    %dma_wait3A_222 = arith.constant 0 : i32
    %dma_wait3A_223 = arith.constant 0 : i32
    %dma_wait3A_224 = tpu.memref_slice %arg3[%dma_wait3A_218, %dma_wait3A_222, %dma_wait3A_223] : memref<4x128x7680xf32, #tpu.memory_space<vmem>> -> memref<1x128x7680xf32, #tpu.memory_space<vmem>>
    %dma_wait3A_225 = tpu.memref_squeeze %dma_wait3A_224 : memref<1x128x7680xf32, #tpu.memory_space<vmem>> -> memref<128x7680xf32, #tpu.memory_space<vmem>>
    %dma_wait3A_226 = arith.constant 0 : i32
    %dma_wait3A_227 = arith.constant 34816 : i32
    %dma_wait3A_228 = tpu.memref_slice %arg0[%dma_wait3A_226, %dma_wait3A_227] : memref<128x65536xf32, #tpu.memory_space<any>> -> memref<128x7680xf32, #tpu.memory_space<any>>
    tpu.wait_dma2 semaphore(%dma_wait3A_221 : memref<!tpu.dma_semaphore, #tpu.memory_space<semaphore_mem>>) src(%dma_wait3A_228 : memref<128x7680xf32, #tpu.memory_space<any>>) dst(%dma_wait3A_225 : memref<128x7680xf32, #tpu.memory_space<vmem>>)
    %dma_start3A_229 = arith.constant 0 : i32
    %dma_start3A_230 = arith.constant 0 : i32
    %dma_start3A_231 = tpu.memref_slice %arg5[%dma_start3A_230] : memref<4x!tpu.dma_semaphore, #tpu.memory_space<semaphore_mem>> -> memref<1x!tpu.dma_semaphore, #tpu.memory_space<semaphore_mem>>
    %dma_start3A_232 = tpu.memref_squeeze %dma_start3A_231 : memref<1x!tpu.dma_semaphore, #tpu.memory_space<semaphore_mem>> -> memref<!tpu.dma_semaphore, #tpu.memory_space<semaphore_mem>>
    %dma_start3A_233 = arith.constant 0 : i32
    %dma_start3A_234 = arith.constant 34816 : i32
    %dma_start3A_235 = tpu.memref_slice %arg2[%dma_start3A_233, %dma_start3A_234] : memref<128x65536xf32, #tpu.memory_space<any>> -> memref<128x7680xf32, #tpu.memory_space<any>>
    %dma_start3A_236 = arith.constant 0 : i32
    %dma_start3A_237 = arith.constant 0 : i32
    %dma_start3A_238 = tpu.memref_slice %arg3[%dma_start3A_229, %dma_start3A_236, %dma_start3A_237] : memref<4x128x7680xf32, #tpu.memory_space<vmem>> -> memref<1x128x7680xf32, #tpu.memory_space<vmem>>
    %dma_start3A_239 = tpu.memref_squeeze %dma_start3A_238 : memref<1x128x7680xf32, #tpu.memory_space<vmem>> -> memref<128x7680xf32, #tpu.memory_space<vmem>>
    tpu.enqueue_dma source(%dma_start3A_239 : memref<128x7680xf32, #tpu.memory_space<vmem>>) target(%dma_start3A_235 : memref<128x7680xf32, #tpu.memory_space<any>>) target_semaphore(%dma_start3A_232 : memref<!tpu.dma_semaphore, #tpu.memory_space<semaphore_mem>>)
    %dma_wait3A_240 = arith.constant 1 : i32
    %dma_wait3A_241 = arith.constant 1 : i32
    %dma_wait3A_242 = tpu.memref_slice %arg4[%dma_wait3A_241] : memref<4x!tpu.dma_semaphore, #tpu.memory_space<semaphore_mem>> -> memref<1x!tpu.dma_semaphore, #tpu.memory_space<semaphore_mem>>
    %dma_wait3A_243 = tpu.memref_squeeze %dma_wait3A_242 : memref<1x!tpu.dma_semaphore, #tpu.memory_space<semaphore_mem>> -> memref<!tpu.dma_semaphore, #tpu.memory_space<semaphore_mem>>
    %dma_wait3A_244 = arith.constant 0 : i32
    %dma_wait3A_245 = arith.constant 0 : i32
    %dma_wait3A_246 = tpu.memref_slice %arg3[%dma_wait3A_240, %dma_wait3A_244, %dma_wait3A_245] : memref<4x128x7680xf32, #tpu.memory_space<vmem>> -> memref<1x128x7680xf32, #tpu.memory_space<vmem>>
    %dma_wait3A_247 = tpu.memref_squeeze %dma_wait3A_246 : memref<1x128x7680xf32, #tpu.memory_space<vmem>> -> memref<128x7680xf32, #tpu.memory_space<vmem>>
    %dma_wait3A_248 = arith.constant 0 : i32
    %dma_wait3A_249 = arith.constant 42496 : i32
    %dma_wait3A_250 = tpu.memref_slice %arg0[%dma_wait3A_248, %dma_wait3A_249] : memref<128x65536xf32, #tpu.memory_space<any>> -> memref<128x7680xf32, #tpu.memory_space<any>>
    tpu.wait_dma2 semaphore(%dma_wait3A_243 : memref<!tpu.dma_semaphore, #tpu.memory_space<semaphore_mem>>) src(%dma_wait3A_250 : memref<128x7680xf32, #tpu.memory_space<any>>) dst(%dma_wait3A_247 : memref<128x7680xf32, #tpu.memory_space<vmem>>)
    %dma_start3A_251 = arith.constant 1 : i32
    %dma_start3A_252 = arith.constant 1 : i32
    %dma_start3A_253 = tpu.memref_slice %arg5[%dma_start3A_252] : memref<4x!tpu.dma_semaphore, #tpu.memory_space<semaphore_mem>> -> memref<1x!tpu.dma_semaphore, #tpu.memory_space<semaphore_mem>>
    %dma_start3A_254 = tpu.memref_squeeze %dma_start3A_253 : memref<1x!tpu.dma_semaphore, #tpu.memory_space<semaphore_mem>> -> memref<!tpu.dma_semaphore, #tpu.memory_space<semaphore_mem>>
    %dma_start3A_255 = arith.constant 0 : i32
    %dma_start3A_256 = arith.constant 42496 : i32
    %dma_start3A_257 = tpu.memref_slice %arg2[%dma_start3A_255, %dma_start3A_256] : memref<128x65536xf32, #tpu.memory_space<any>> -> memref<128x7680xf32, #tpu.memory_space<any>>
    %dma_start3A_258 = arith.constant 0 : i32
    %dma_start3A_259 = arith.constant 0 : i32
    %dma_start3A_260 = tpu.memref_slice %arg3[%dma_start3A_251, %dma_start3A_258, %dma_start3A_259] : memref<4x128x7680xf32, #tpu.memory_space<vmem>> -> memref<1x128x7680xf32, #tpu.memory_space<vmem>>
    %dma_start3A_261 = tpu.memref_squeeze %dma_start3A_260 : memref<1x128x7680xf32, #tpu.memory_space<vmem>> -> memref<128x7680xf32, #tpu.memory_space<vmem>>
    tpu.enqueue_dma source(%dma_start3A_261 : memref<128x7680xf32, #tpu.memory_space<vmem>>) target(%dma_start3A_257 : memref<128x7680xf32, #tpu.memory_space<any>>) target_semaphore(%dma_start3A_254 : memref<!tpu.dma_semaphore, #tpu.memory_space<semaphore_mem>>)
    %dma_wait3A_262 = arith.constant 2 : i32
    %dma_wait3A_263 = arith.constant 2 : i32
    %dma_wait3A_264 = tpu.memref_slice %arg4[%dma_wait3A_263] : memref<4x!tpu.dma_semaphore, #tpu.memory_space<semaphore_mem>> -> memref<1x!tpu.dma_semaphore, #tpu.memory_space<semaphore_mem>>
    %dma_wait3A_265 = tpu.memref_squeeze %dma_wait3A_264 : memref<1x!tpu.dma_semaphore, #tpu.memory_space<semaphore_mem>> -> memref<!tpu.dma_semaphore, #tpu.memory_space<semaphore_mem>>
    %dma_wait3A_266 = arith.constant 0 : i32
    %dma_wait3A_267 = arith.constant 0 : i32
    %dma_wait3A_268 = tpu.memref_slice %arg3[%dma_wait3A_262, %dma_wait3A_266, %dma_wait3A_267] : memref<4x128x7680xf32, #tpu.memory_space<vmem>> -> memref<1x128x7680xf32, #tpu.memory_space<vmem>>
    %dma_wait3A_269 = tpu.memref_squeeze %dma_wait3A_268 : memref<1x128x7680xf32, #tpu.memory_space<vmem>> -> memref<128x7680xf32, #tpu.memory_space<vmem>>
    %dma_wait3A_270 = arith.constant 0 : i32
    %dma_wait3A_271 = arith.constant 50176 : i32
    %dma_wait3A_272 = tpu.memref_slice %arg0[%dma_wait3A_270, %dma_wait3A_271] : memref<128x65536xf32, #tpu.memory_space<any>> -> memref<128x7680xf32, #tpu.memory_space<any>>
    tpu.wait_dma2 semaphore(%dma_wait3A_265 : memref<!tpu.dma_semaphore, #tpu.memory_space<semaphore_mem>>) src(%dma_wait3A_272 : memref<128x7680xf32, #tpu.memory_space<any>>) dst(%dma_wait3A_269 : memref<128x7680xf32, #tpu.memory_space<vmem>>)
    %dma_start3A_273 = arith.constant 2 : i32
    %dma_start3A_274 = arith.constant 2 : i32
    %dma_start3A_275 = tpu.memref_slice %arg5[%dma_start3A_274] : memref<4x!tpu.dma_semaphore, #tpu.memory_space<semaphore_mem>> -> memref<1x!tpu.dma_semaphore, #tpu.memory_space<semaphore_mem>>
    %dma_start3A_276 = tpu.memref_squeeze %dma_start3A_275 : memref<1x!tpu.dma_semaphore, #tpu.memory_space<semaphore_mem>> -> memref<!tpu.dma_semaphore, #tpu.memory_space<semaphore_mem>>
    %dma_start3A_277 = arith.constant 0 : i32
    %dma_start3A_278 = arith.constant 50176 : i32
    %dma_start3A_279 = tpu.memref_slice %arg2[%dma_start3A_277, %dma_start3A_278] : memref<128x65536xf32, #tpu.memory_space<any>> -> memref<128x7680xf32, #tpu.memory_space<any>>
    %dma_start3A_280 = arith.constant 0 : i32
    %dma_start3A_281 = arith.constant 0 : i32
    %dma_start3A_282 = tpu.memref_slice %arg3[%dma_start3A_273, %dma_start3A_280, %dma_start3A_281] : memref<4x128x7680xf32, #tpu.memory_space<vmem>> -> memref<1x128x7680xf32, #tpu.memory_space<vmem>>
    %dma_start3A_283 = tpu.memref_squeeze %dma_start3A_282 : memref<1x128x7680xf32, #tpu.memory_space<vmem>> -> memref<128x7680xf32, #tpu.memory_space<vmem>>
    tpu.enqueue_dma source(%dma_start3A_283 : memref<128x7680xf32, #tpu.memory_space<vmem>>) target(%dma_start3A_279 : memref<128x7680xf32, #tpu.memory_space<any>>) target_semaphore(%dma_start3A_276 : memref<!tpu.dma_semaphore, #tpu.memory_space<semaphore_mem>>)
    %dma_wait3A_284 = arith.constant 3 : i32
    %dma_wait3A_285 = arith.constant 3 : i32
    %dma_wait3A_286 = tpu.memref_slice %arg4[%dma_wait3A_285] : memref<4x!tpu.dma_semaphore, #tpu.memory_space<semaphore_mem>> -> memref<1x!tpu.dma_semaphore, #tpu.memory_space<semaphore_mem>>
    %dma_wait3A_287 = tpu.memref_squeeze %dma_wait3A_286 : memref<1x!tpu.dma_semaphore, #tpu.memory_space<semaphore_mem>> -> memref<!tpu.dma_semaphore, #tpu.memory_space<semaphore_mem>>
    %dma_wait3A_288 = arith.constant 0 : i32
    %dma_wait3A_289 = arith.constant 0 : i32
    %dma_wait3A_290 = tpu.memref_slice %arg3[%dma_wait3A_284, %dma_wait3A_288, %dma_wait3A_289] : memref<4x128x7680xf32, #tpu.memory_space<vmem>> -> memref<1x128x7680xf32, #tpu.memory_space<vmem>>
    %dma_wait3A_291 = tpu.memref_squeeze %dma_wait3A_290 : memref<1x128x7680xf32, #tpu.memory_space<vmem>> -> memref<128x7680xf32, #tpu.memory_space<vmem>>
    %dma_wait3A_292 = arith.constant 0 : i32
    %dma_wait3A_293 = arith.constant 57856 : i32
    %dma_wait3A_294 = tpu.memref_slice %arg0[%dma_wait3A_292, %dma_wait3A_293] : memref<128x65536xf32, #tpu.memory_space<any>> -> memref<128x7680xf32, #tpu.memory_space<any>>
    tpu.wait_dma2 semaphore(%dma_wait3A_287 : memref<!tpu.dma_semaphore, #tpu.memory_space<semaphore_mem>>) src(%dma_wait3A_294 : memref<128x7680xf32, #tpu.memory_space<any>>) dst(%dma_wait3A_291 : memref<128x7680xf32, #tpu.memory_space<vmem>>)
    %dma_start3A_295 = arith.constant 3 : i32
    %dma_start3A_296 = arith.constant 3 : i32
    %dma_start3A_297 = tpu.memref_slice %arg5[%dma_start3A_296] : memref<4x!tpu.dma_semaphore, #tpu.memory_space<semaphore_mem>> -> memref<1x!tpu.dma_semaphore, #tpu.memory_space<semaphore_mem>>
    %dma_start3A_298 = tpu.memref_squeeze %dma_start3A_297 : memref<1x!tpu.dma_semaphore, #tpu.memory_space<semaphore_mem>> -> memref<!tpu.dma_semaphore, #tpu.memory_space<semaphore_mem>>
    %dma_start3A_299 = arith.constant 0 : i32
    %dma_start3A_300 = arith.constant 57856 : i32
    %dma_start3A_301 = tpu.memref_slice %arg2[%dma_start3A_299, %dma_start3A_300] : memref<128x65536xf32, #tpu.memory_space<any>> -> memref<128x7680xf32, #tpu.memory_space<any>>
    %dma_start3A_302 = arith.constant 0 : i32
    %dma_start3A_303 = arith.constant 0 : i32
    %dma_start3A_304 = tpu.memref_slice %arg3[%dma_start3A_295, %dma_start3A_302, %dma_start3A_303] : memref<4x128x7680xf32, #tpu.memory_space<vmem>> -> memref<1x128x7680xf32, #tpu.memory_space<vmem>>
    %dma_start3A_305 = tpu.memref_squeeze %dma_start3A_304 : memref<1x128x7680xf32, #tpu.memory_space<vmem>> -> memref<128x7680xf32, #tpu.memory_space<vmem>>
    tpu.enqueue_dma source(%dma_start3A_305 : memref<128x7680xf32, #tpu.memory_space<vmem>>) target(%dma_start3A_301 : memref<128x7680xf32, #tpu.memory_space<any>>) target_semaphore(%dma_start3A_298 : memref<!tpu.dma_semaphore, #tpu.memory_space<semaphore_mem>>)
    %dma_wait3A_306 = arith.constant 0 : i32
    %dma_wait3A_307 = arith.constant 0 : i32
    %dma_wait3A_308 = tpu.memref_slice %arg5[%dma_wait3A_307] : memref<4x!tpu.dma_semaphore, #tpu.memory_space<semaphore_mem>> -> memref<1x!tpu.dma_semaphore, #tpu.memory_space<semaphore_mem>>
    %dma_wait3A_309 = tpu.memref_squeeze %dma_wait3A_308 : memref<1x!tpu.dma_semaphore, #tpu.memory_space<semaphore_mem>> -> memref<!tpu.dma_semaphore, #tpu.memory_space<semaphore_mem>>
    %dma_wait3A_310 = arith.constant 0 : i32
    %dma_wait3A_311 = arith.constant 34816 : i32
    %dma_wait3A_312 = tpu.memref_slice %arg2[%dma_wait3A_310, %dma_wait3A_311] : memref<128x65536xf32, #tpu.memory_space<any>> -> memref<128x7680xf32, #tpu.memory_space<any>>
    %dma_wait3A_313 = arith.constant 0 : i32
    %dma_wait3A_314 = arith.constant 0 : i32
    %dma_wait3A_315 = tpu.memref_slice %arg3[%dma_wait3A_306, %dma_wait3A_313, %dma_wait3A_314] : memref<4x128x7680xf32, #tpu.memory_space<vmem>> -> memref<1x128x7680xf32, #tpu.memory_space<vmem>>
    %dma_wait3A_316 = tpu.memref_squeeze %dma_wait3A_315 : memref<1x128x7680xf32, #tpu.memory_space<vmem>> -> memref<128x7680xf32, #tpu.memory_space<vmem>>
    tpu.wait_dma2 semaphore(%dma_wait3A_309 : memref<!tpu.dma_semaphore, #tpu.memory_space<semaphore_mem>>) src(%dma_wait3A_316 : memref<128x7680xf32, #tpu.memory_space<vmem>>) dst(%dma_wait3A_312 : memref<128x7680xf32, #tpu.memory_space<any>>)
    %dma_wait3A_317 = arith.constant 1 : i32
    %dma_wait3A_318 = arith.constant 1 : i32
    %dma_wait3A_319 = tpu.memref_slice %arg5[%dma_wait3A_318] : memref<4x!tpu.dma_semaphore, #tpu.memory_space<semaphore_mem>> -> memref<1x!tpu.dma_semaphore, #tpu.memory_space<semaphore_mem>>
    %dma_wait3A_320 = tpu.memref_squeeze %dma_wait3A_319 : memref<1x!tpu.dma_semaphore, #tpu.memory_space<semaphore_mem>> -> memref<!tpu.dma_semaphore, #tpu.memory_space<semaphore_mem>>
    %dma_wait3A_321 = arith.constant 0 : i32
    %dma_wait3A_322 = arith.constant 42496 : i32
    %dma_wait3A_323 = tpu.memref_slice %arg2[%dma_wait3A_321, %dma_wait3A_322] : memref<128x65536xf32, #tpu.memory_space<any>> -> memref<128x7680xf32, #tpu.memory_space<any>>
    %dma_wait3A_324 = arith.constant 0 : i32
    %dma_wait3A_325 = arith.constant 0 : i32
    %dma_wait3A_326 = tpu.memref_slice %arg3[%dma_wait3A_317, %dma_wait3A_324, %dma_wait3A_325] : memref<4x128x7680xf32, #tpu.memory_space<vmem>> -> memref<1x128x7680xf32, #tpu.memory_space<vmem>>
    %dma_wait3A_327 = tpu.memref_squeeze %dma_wait3A_326 : memref<1x128x7680xf32, #tpu.memory_space<vmem>> -> memref<128x7680xf32, #tpu.memory_space<vmem>>
    tpu.wait_dma2 semaphore(%dma_wait3A_320 : memref<!tpu.dma_semaphore, #tpu.memory_space<semaphore_mem>>) src(%dma_wait3A_327 : memref<128x7680xf32, #tpu.memory_space<vmem>>) dst(%dma_wait3A_323 : memref<128x7680xf32, #tpu.memory_space<any>>)
    %dma_wait3A_328 = arith.constant 2 : i32
    %dma_wait3A_329 = arith.constant 2 : i32
    %dma_wait3A_330 = tpu.memref_slice %arg5[%dma_wait3A_329] : memref<4x!tpu.dma_semaphore, #tpu.memory_space<semaphore_mem>> -> memref<1x!tpu.dma_semaphore, #tpu.memory_space<semaphore_mem>>
    %dma_wait3A_331 = tpu.memref_squeeze %dma_wait3A_330 : memref<1x!tpu.dma_semaphore, #tpu.memory_space<semaphore_mem>> -> memref<!tpu.dma_semaphore, #tpu.memory_space<semaphore_mem>>
    %dma_wait3A_332 = arith.constant 0 : i32
    %dma_wait3A_333 = arith.constant 50176 : i32
    %dma_wait3A_334 = tpu.memref_slice %arg2[%dma_wait3A_332, %dma_wait3A_333] : memref<128x65536xf32, #tpu.memory_space<any>> -> memref<128x7680xf32, #tpu.memory_space<any>>
    %dma_wait3A_335 = arith.constant 0 : i32
    %dma_wait3A_336 = arith.constant 0 : i32
    %dma_wait3A_337 = tpu.memref_slice %arg3[%dma_wait3A_328, %dma_wait3A_335, %dma_wait3A_336] : memref<4x128x7680xf32, #tpu.memory_space<vmem>> -> memref<1x128x7680xf32, #tpu.memory_space<vmem>>
    %dma_wait3A_338 = tpu.memref_squeeze %dma_wait3A_337 : memref<1x128x7680xf32, #tpu.memory_space<vmem>> -> memref<128x7680xf32, #tpu.memory_space<vmem>>
    tpu.wait_dma2 semaphore(%dma_wait3A_331 : memref<!tpu.dma_semaphore, #tpu.memory_space<semaphore_mem>>) src(%dma_wait3A_338 : memref<128x7680xf32, #tpu.memory_space<vmem>>) dst(%dma_wait3A_334 : memref<128x7680xf32, #tpu.memory_space<any>>)
    %dma_wait3A_339 = arith.constant 3 : i32
    %dma_wait3A_340 = arith.constant 3 : i32
    %dma_wait3A_341 = tpu.memref_slice %arg5[%dma_wait3A_340] : memref<4x!tpu.dma_semaphore, #tpu.memory_space<semaphore_mem>> -> memref<1x!tpu.dma_semaphore, #tpu.memory_space<semaphore_mem>>
    %dma_wait3A_342 = tpu.memref_squeeze %dma_wait3A_341 : memref<1x!tpu.dma_semaphore, #tpu.memory_space<semaphore_mem>> -> memref<!tpu.dma_semaphore, #tpu.memory_space<semaphore_mem>>
    %dma_wait3A_343 = arith.constant 0 : i32
    %dma_wait3A_344 = arith.constant 57856 : i32
    %dma_wait3A_345 = tpu.memref_slice %arg2[%dma_wait3A_343, %dma_wait3A_344] : memref<128x65536xf32, #tpu.memory_space<any>> -> memref<128x7680xf32, #tpu.memory_space<any>>
    %dma_wait3A_346 = arith.constant 0 : i32
    %dma_wait3A_347 = arith.constant 0 : i32
    %dma_wait3A_348 = tpu.memref_slice %arg3[%dma_wait3A_339, %dma_wait3A_346, %dma_wait3A_347] : memref<4x128x7680xf32, #tpu.memory_space<vmem>> -> memref<1x128x7680xf32, #tpu.memory_space<vmem>>
    %dma_wait3A_349 = tpu.memref_squeeze %dma_wait3A_348 : memref<1x128x7680xf32, #tpu.memory_space<vmem>> -> memref<128x7680xf32, #tpu.memory_space<vmem>>
    tpu.wait_dma2 semaphore(%dma_wait3A_342 : memref<!tpu.dma_semaphore, #tpu.memory_space<semaphore_mem>>) src(%dma_wait3A_349 : memref<128x7680xf32, #tpu.memory_space<vmem>>) dst(%dma_wait3A_345 : memref<128x7680xf32, #tpu.memory_space<any>>)
    return
  }
}

</mosaic_0001>

<sc_bundles>
// kernel: kernel.4.cloned.1.call-start
scs
__scs_entry_jumppad:
0x0: {  	(pc) =	sbr.rel $0x88, $3  }
0x1: {  	(tag) =	ssettag $0x0;
	lr =	simm.s32 $0x1  }
0x2: {  	[smem:$0x3F9F] =	sst lr;
	_ =	strace $0xD0000000  }
0x3: {  	_ = 	snop  }
0x4: {  	_ = 	snop  }
0x5: {  	_ = 	snop  }
0x6: {  	_ = 	snop  }
0x7: {  	_ = 	snop  }
__scs_overlays_trampoline_lowered:
0x8: {  	[smem:$0x3FAE] =	sst s0  }
0x9: {  	[smem:$0x3FAF] =	sst s1  }
0xa: {  	[smem:$0x3FB0] =	sst s2  }
0xb: {  	[smem:$0x3FB1] =	sst s3  }
0xc: {  	[smem:$0x3FB2] =	sst s4  }
0xd: {  	[smem:$0x3FB3] =	sst s5  }
0xe: {  	[smem:$0x3FB4] =	sst s6  }
0xf: {  	[smem:$0x3FB5] =	sst s7  }
0x10: {  	[smem:$0x3FB6] =	sst s8  }
0x11: {  	[smem:$0x3FB7] =	sst s9;
	s0 =	simm.s32 @!p0 $0x0  }
0x12: {  	s1 =	sld [smem:$0x3F9D];
	s0 =	simm.s32 @p0 $0x1  }
0x13: {  	[smem:$0x3FB8] =	sst s0;
	s0 =	simm.s32 @!p1 $0x0  }
0x14: {  	s2 =	sld [smem:$0x3F9C];
	s0 =	simm.s32 @p1 $0x1  }
0x15: {  	[smem:$0x3FB9] =	sst s0;
	s0 =	simm.s32 @!p2 $0x0  }
0x16: {  	s3 =	sld [smem:$0x3FDB];
	s0 =	simm.s32 @p2 $0x1  }
0x17: {  	s4 =	simm.s32 $0x1BF5;
	[smem:$0x3FBB] =	sst s0  }
0x18: {  	s0 =	sld [smem:$0x3F9E];
	_ =	swait.ge [sflag:s4], $0x0  }
0x19: {  	s7 =	sld [smem:$0x3F9F]  }
0x1a: {  	s8 =	sadd.s32 $0xFFFFE003, lr  }
0x1b: {  	s9 =	sadd.s32 $0xFFFFFEF7, lr;
	s5 =	simm.s32 $0xFFFFFFFF;
	p2 =	slt.u32 s8, $0xFFFFF086  }
0x1c: {  	p1 =	slt.u32 s9, $0xF7A;
	s5 =	simm.s32 @!p2 $0x0  }
0x1d: {  	s5 =	simm.s32 @p1 $0x1;
	p0 =	seq.s32 s7, s2  }
0x1e: {  	s7 =	smul.u32 @!p0 $0xF7A, s2;
	p2 =	seq.s32 @!p0 s5, $0x0  }
0x1f: {  	s9 =	smul.u32 $0xF7A, s1;
	s8 =	simm.s32 @!p0 $0x1BF5;
	p2 =	por !p2, p0  }
0x20: {  	[sflag:s8] =	ssyncset.s32 @!p0 $0xFFFFF086;
	s6 =	sadd.s32 @!p0 s3, s7;
	s7 =	simm.s32 @!p0 $0x108  }
0x21: {  	s3 =	sadd.s32 s3, s9;
	s6 =	sadd.s32 @!p0 $0x88, s6;
	s7 =	simm.s32 @p2 $0x1082  }
0x22: {  	[simem:s7], [sflag:s8] =	dma.local @!p0 [hbm:s6], $0xF7A  }
0x23: {  	s9 =	sor.u32 $0xD0000000, s2;
	s6 =	simm.s32 $0x108;
	_ =	swait.ge @!p0 [sflag:s8], $0x0  }
0x24: {  	s3 =	sadd.s32 $0x88, s3;
	s6 =	simm.s32 @!p1 $0x1082;
	[sflag:s4] =	ssyncset.s32 $0xFFFFF086  }
0x25: {  	[simem:s6], [sflag:s4] =	dma.local [hbm:s3], $0xF7A  }
0x26: {  	[smem:$0x3F9F] =	sst s1;
	(tag) =	ssettag s2;
	_ =	strace s9  }
0x27: {  	s1 =	sld [smem:$0x3FAF]  }
0x28: {  	s2 =	sld [smem:$0x3FB0]  }
0x29: {  	s4 =	sld [smem:$0x3FB2]  }
0x2a: {  	p0 =	seq.s32 s5, $0x0;
	s5 =	sld [smem:$0x3FB3]  }
0x2b: {  	s6 =	sld [smem:$0x3FB4]  }
0x2c: {  	s7 =	sld [smem:$0x3FB5]  }
0x2d: {  	s3 =	simm.s32 $0x108;
	s8 =	sld [smem:$0x3FB6]  }
0x2e: {  	s3 =	simm.s32 @!p0 $0x1082;
	s9 =	sld [smem:$0x3FB7]  }
0x2f: {  	lr =	sadd.s32 s0, s3;
	s0 =	sld [smem:$0x3FAE]  }
0x30: {  	s3 =	sld [smem:$0x3FB1]  }
0x31: {  	[smem:$0x3FBA] =	sst s10  }
0x32: {  	s10 =	sld [smem:$0x3FB8];
	_ =	sdelay $0x3  }
0x33: {  	p0 =	seq.s32 s10, $0x1;
	s10 =	sld [smem:$0x3FBA];
	_ =	sdelay $0x3  }
0x34: {  	[smem:$0x3FBA] =	sst s10  }
0x35: {  	s10 =	sld [smem:$0x3FB9];
	_ =	sdelay $0x3  }
0x36: {  	p1 =	seq.s32 s10, $0x1;
	s10 =	sld [smem:$0x3FBA];
	_ =	sdelay $0x3  }
0x37: {  	[smem:$0x3FBA] =	sst s10  }
0x38: {  	s10 =	sld [smem:$0x3FBB]  }
0x39: {  	_ = 	snop;
	(pc) =	sbr.ind lr, $3  }
0x3a: {  	_ = 	snop  }
0x3b: {  	_ = 	snop  }
0x3c: {  	p2 =	seq.s32 s10, $0x1;
	s10 =	sld [smem:$0x3FBA]  }
0x3d: {  	_ =	shalt  }
0x3e: {  	_ =	shalt  }
0x3f: {  	_ =	shalt  }
0x40: {  	_ =	shalt  }
0x41: {  	_ =	shalt  }
0x42: {  	_ =	shalt  }
0x43: {  	_ =	shalt  }
0x44: {  	_ =	shalt  }
0x45: {  	_ =	shalt  }
0x46: {  	_ =	shalt  }
0x47: {  	_ =	shalt  }
0x48: {  	_ =	shalt  }
0x49: {  	_ =	shalt  }
0x4a: {  	_ =	shalt  }
0x4b: {  	_ =	shalt  }
0x4c: {  	_ =	shalt  }
0x4d: {  	_ =	shalt  }
0x4e: {  	_ =	shalt  }
0x4f: {  	_ =	shalt  }
0x50: {  	_ =	shalt  }
0x51: {  	_ =	shalt  }
0x52: {  	_ =	shalt  }
0x53: {  	_ =	shalt  }
0x54: {  	_ =	shalt  }
0x55: {  	_ =	shalt  }
0x56: {  	_ =	shalt  }
0x57: {  	_ =	shalt  }
0x58: {  	_ =	shalt  }
0x59: {  	_ =	shalt  }
0x5a: {  	_ =	shalt  }
0x5b: {  	_ =	shalt  }
0x5c: {  	_ =	shalt  }
0x5d: {  	_ =	shalt  }
0x5e: {  	_ =	shalt  }
0x5f: {  	_ =	shalt  }
0x60: {  	_ =	shalt  }
0x61: {  	_ =	shalt  }
0x62: {  	_ =	shalt  }
0x63: {  	_ =	shalt  }
0x64: {  	_ =	shalt  }
0x65: {  	_ =	shalt  }
0x66: {  	_ =	shalt  }
0x67: {  	_ =	shalt  }
0x68: {  	_ =	shalt  }
0x69: {  	_ =	shalt  }
0x6a: {  	_ =	shalt  }
0x6b: {  	_ =	shalt  }
0x6c: {  	_ =	shalt  }
0x6d: {  	_ =	shalt  }
0x6e: {  	_ =	shalt  }
0x6f: {  	_ =	shalt  }
0x70: {  	_ =	shalt  }
0x71: {  	_ =	shalt  }
0x72: {  	_ =	shalt  }
0x73: {  	_ =	shalt  }
0x74: {  	_ =	shalt  }
0x75: {  	_ =	shalt  }
0x76: {  	_ =	shalt  }
0x77: {  	_ =	shalt  }
0x78: {  	_ =	shalt  }
0x79: {  	_ =	shalt  }
0x7a: {  	_ =	shalt  }
0x7b: {  	_ =	shalt  }
0x7c: {  	_ =	shalt  }
0x7d: {  	_ =	shalt  }
0x7e: {  	_ =	shalt  }
0x7f: {  	_ =	shalt  }
0x80: {  	_ =	shalt  }
0x81: {  	_ =	shalt  }
0x82: {  	_ =	shalt  }
0x83: {  	_ =	shalt  }
0x84: {  	_ =	shalt  }
0x85: {  	_ =	shalt  }
0x86: {  	_ =	shalt  }
0x87: {  	_ =	shalt  }
.Lfunc_end0:
.L_simem_size_0:
called_computation_lowered:
.L_overlay_start_0:
0x88: {  	s2 =	sld [smem:$0x3FD9]  }
0x89: {  	s3 =	sld [smem:$0x3FFE];
	_ =	sdelay $0x1  }
0x8a: {  	s1 =	srdreg.scid  }
0x8b: {  	s0 =	sand.u32 $0x1, s1  }
0x8c: {  	s18 =	sshll.u32 s0, $0xA;
	s2 =	sadd.s32 s3, s2  }
0x8d: {  	s2 =	sadd.s32 s2, s18  }
0x8e: {  	[smem:$0x3FC6] =	sst s2  }
0x8f: {  	_ = 	snop  }
0x90: {  	s2 =	sld [smem:$0x3FC9]  }
0x91: {  	s19 =	sld [smem:$0x3FD0];
	(tm) =	ssettm $0x1  }
0x92: {  	s4 =	sld [smem:$0x3FFB];
	_ =	sdelay $0x3  }
0x93: {  	_ =	strace s4  }
0x94: {  	s4 =	sld [smem:$0x3FFC];
	_ =	sdelay $0x3  }
0x95: {  	_ =	strace s4  }
0x96: {  	s4 =	sld [smem:$0x3FFD];
	_ =	sdelay $0x3  }
0x97: {  	_ =	strace s4  }
0x98: {  	_ =	strace $0x8FFFFFFF  }
0x99: {  	s20 =	sld [smem:$0x3FDB];
	_ =	sdelay $0x1  }
0x9a: {  	s5 =	simm.s32 $_scs_section_size  }
0x9b: {  	s6 =	simm.s32 $_size__tile_overlayer_lowered;
	s7 =	simm.s32 $_tile_overlayer_lowered  }
0x9c: {  	s23 =	simm.s32 $0x1BFF;
	s22 =	sshll.u32 s7, $0x1;
	s4 =	sadd.s32 s5, s20  }
0x9d: {  	s8 =	simm.s32 $0x0;
	s21 =	sshll.u32 s6, $0x1;
	s6 =	sadd.s32 s22, s4  }
0x9e: {  	[timem:s8], [sflag:s23] =	dma.local [hbm:s6], s21  }
0x9f: {  	_ =	swait.ge [sflag:s23], s21  }
0xa0: {  	s5 =	ssub.s32 $0x0, s21;
	[sflag:s23] =	ssyncset.done $0x0  }
0xa1: {  	[sflag:s23] =	ssyncadd.s32 s5;
	_ =	sdelay $0x1  }
0xa2: {  	s24 =	simm.s32 $0x1B8B  }
0xa3: {  	_ =	swait.ge [sflag:s24], $0x1  }
0xa4: {  	[sflag:s24] =	ssyncset.done $0x0  }
0xa5: {  	s25 =	simm.s32 $0x1B8E;
	[sflag:s24] =	ssyncadd.s32 $0xFFFFFFFF  }
0xa6: {  	s26 =	simm.s32 $execute0_lowered;
	[smem:$0x3FD2] =	sst s25  }
0xa7: {  	s5 =	sshll.u32 s26, $0x1;
	_ =	strace $0x80000046;
	[dreg:$0x1] =	wrdreg $0xFFFFFFFF  }
0xa8: {  	s28 =	simm.s32 $_size_execute0_lowered;
	s4 =	sadd.s32 s4, s5;
	[dreg:$0x0] =	wrdreg $0x0  }
0xa9: {  	s5 =	sshll.u32 s28, $0x1;
	[dreg:$0x2] =	wrdreg s4  }
0xaa: {  	[dreg:$0x3] =	wrdreg s5  }
0xab: {  	[dreg:$0x4] =	wrdreg $0xC0  }
0xac: {  	_ =	task [dreg:s8], $0x5FFFF  }
0xad: {  	[dreg:$0x1] =	wrdreg $0xFFFFFFFF  }
0xae: {  	[dreg:$0x0] =	wrdreg $0x60  }
0xaf: {  	[dreg:$0x2] =	wrdreg s2  }
0xb0: {  	[dreg:$0x3] =	wrdreg s19  }
0xb1: {  	[dreg:$0x4] =	wrdreg $0x9  }
0xb2: {  	_ =	task.clear_ibuf [dreg:s8], $0x5FFFF;
	_ =	strace $0x90000046  }
0xb3: {  	s29 =	simm.s32 $0x9;
	_ =	strace $0x80000048  }
0xb4: {  	_ =	swait.ge [sflag:s29], $0x1  }
0xb5: {  	[sflag:s29] =	ssyncadd.s32 $0xFFFFFFFF  }
0xb6: {  	_ =	strace $0x90000048  }
0xb7: {  	_ =	sfence  }
0xb8: {  	s30 =	sld [smem:$0x0];
	_ =	sdelay $0x2  }
0xb9: {  	s31 =	sshll.u32 s1, $0xD;
	s1 =	sshrl.u32 s1, $0x2  }
0xba: {  	s3 =	sand.u32 $0x4000, s31;
	s1 =	sadd.s32 s1, s30  }
0xbb: {  	s0 =	sor.u32 s3, s0;
	s1 =	sshll.u32 s1, $0x11  }
0xbc: {  	s0 =	sor.u32 s1, s0  }
0xbd: {  	s0 =	sadd.s32 $0x8F2B, s0  }
0xbe: {  	[sflag:s0] =	ssyncadd.remote.s32 $0x1  }
0xbf: {  	_ =	sfence.sel $0xFFFF  }
0xc0: {  	[dreg:$0x0] =	wrdreg $0xFFFFFFFF;
	(pc) =	sbr.abs _section_cstart, $3  }
0xc1: {  	[dreg:$0x1] =	wrdreg $0xFFFFFFFF  }
0xc2: {  	_ =	task.clear_ibuf [dreg:s8], $0x2FFFF;
	_ =	strace $0x9FFFFFFF  }
0xc3: {  	(tm) =	ssettm $0x7FFFFFFF  }
tec
execute0_lowered:
.L_overlay_start_1:
0x0: {  	(tag) =	ssettag $0x1  }
0x1: {  	s1 =	srdreg.scid  }
0x2: {  	s0 =	stileid.u32;
	s3 =	sand.u32 $0x1, s1  }
0x3: {  	s1 =	sor.u32 s3, s0  }
0x4: {  	p1 =	seq.s32 s3, $0x1;
	p0 =	seq.s32 s1, $0x0  }
0x5: {  	p0 =	por !p0, !p1  }
0x6: {  	s2 =	simm.s32 $0x1;
	p0 =	por !p0, !p0  }
0x7: {  	s4 =	rddreg [dreg:$0x0];
	s2 =	simm.s32 @!p0 $0x0  }
0x8: {  	s5 =	rddreg [dreg:$0x1];
	s6 =	ssub.s32 s0, s2  }
0x9: {  	s8 =	sshll.u32 s3, $0xE;
	s9 =	ssub.s32 $0x2, s3;
	s7 =	sshll.u32 s6, $0xF  }
0xa: {  	s1 =	rddreg [dreg:$0x2];
	s2 =	simm.s32 $0x0;
	s7 =	sor.u32 s8, s7  }
0xb: {  	s30 =	sshrl.u32 s9, $0x1;
	[smem:$0x7FF] =	sst s2;
	s7 =	sshrl.u32 s7, $0x3  }
0xc: {  	_ =	strace $0x80000047;
	s4 =	sadd.s32 s4, s7;
	s7 =	ssub.s32 s9, s30  }
0xd: {  	[tilespmem:s2], [sflag:$0x1] =	stream.linear.gather [hbm4b:s4+s2], $0x4000, $0x38;
	[tilespmem:$0x4000] =	vst v63  }
0xe: {  	s3 =	simm.s32 $0x1;
	s6 =	sshll.u32 s6, $0x13;
	s31 =	smax.u32 s7, $0x1  }
0xf: {  	s6 =	sor.u32 s8, s6;
	_ =	swait.ge [sflag:s3], $0x4000;
	p0 =	sne.s32 s31, $0x1  }
.Ltmp0:
0x10: {  	s6 =	sshrl.u32 s6, $0x3;
	[sflag:s3] =	ssyncset.done $0x0;
	(pc) =	sbr.rel @!p0 .LBB2_2-.Ltmp0, $4  }
0x11: {  	s5 =	sadd.s32 s5, s6;
	[sflag:s3] =	ssyncadd.s32 $0xFFFFC000  }
0x12: {  	[hbm4b:s5+s2] =	stream.linear.scatter [tilespmem:s2], [sflag:$0x1], $0x4000, $0x38;
	[tilespmem:$0x4000] =	vst v63  }
0x13: {  	_ =	swait.ge [sflag:s3], $0x4000  }
0x14: {  	s6 =	sadd.s32 $0xFFFFFFFF, s31;
	[sflag:s3] =	ssyncset.done $0x0  }
.LBB2_1:
0x15: {  	p0 =	sne.s32 s6, $0x1;
	s6 =	sadd.s32 $0xFFFFFFFF, s6;
	[sflag:s3] =	ssyncadd.s32 $0xFFFFC000  }
0x16: {  	[tilespmem:s2], [sflag:$0x1] =	stream.linear.gather [hbm4b:s4+s2], $0x4000, $0x38;
	[tilespmem:$0x4000] =	vst v63  }
0x17: {  	_ =	swait.ge [sflag:s3], $0x4000  }
.Ltmp1:
0x18: {  	[sflag:s3] =	ssyncset.done $0x0;
	(pc) =	sbr.rel @p0 .LBB2_1-.Ltmp1, $4  }
0x19: {  	[sflag:s3] =	ssyncadd.s32 $0xFFFFC000  }
0x1a: {  	[hbm4b:s5+s2] =	stream.linear.scatter [tilespmem:s2], [sflag:$0x1], $0x4000, $0x38;
	[tilespmem:$0x4000] =	vst v63  }
0x1b: {  	_ =	swait.ge [sflag:s3], $0x4000  }
0x1c: {  	[sflag:s3] =	ssyncset.done $0x0  }
.LBB2_2:
0x1d: {  	[sflag:s3] =	ssyncadd.s32 $0xFFFFC000  }
0x1e: {  	_ =	sfence.sel $0x180000  }
0x1f: {  	[bflag:$0x0] =	sbarrier.arrive $0xFFFF  }
0x20: {  	p0 =	sne.s32 s0, $0x0;
	_ =	strace $0x90000047  }
0x21: {  	s0 =	sadd.s32 @!p0 $0x100000, s1;
	[bflag:$0x2] =	sbarrier.arrive $0xFFFF  }
0x22: {  	[sflag:s0] =	ssyncadd.tile.s32 @!p0 $0x1;
	_ =	shalt  }
.Lfunc_end2:
_tile_overlayer_lowered:
.L_overlay_start_2:
0x23: {  	(tag) =	ssettag $0x2  }
0x24: {  	s0 =	rddreg [dreg:$0x0];
	s2 =	stileid.u32  }
0x25: {  	s1 =	rddreg [dreg:$0x1];
	p0 =	sne.s32 s2, $0x0  }
0x26: {  	s3 =	rddreg [dreg:$0x2];
	[bflag:$0x3] =	sbarrier.arrive $0xFFFF;
	s2 =	simm.s32 @!p0 $0x1C01  }
0x27: {  	[timem:s3], [sflag:s2] =	dma.local @!p0 [hbm:s0], s1  }
0x28: {  	s0 =	simm.s32 @!p0 $0x1  }
0x29: {  	_ =	swait.ge @!p0 [sflag:s0], s1  }
0x2a: {  	s1 =	ssub.s32 @!p0 $0x0, s1;
	[sflag:s0] =	ssyncset.done @!p0 $0x0  }
0x2b: {  	[sflag:s0] =	ssyncadd.s32 @!p0 s1  }
0x2c: {  	[bflag:$0x3] =	sbarrier.arrive $0xFFFF  }
0x2d: {  	_ =	shalt  }

</sc_bundles>
